<compile_context>
chip_gen: v7x
topology: tpu7x:2x2x1
jax: 0.10.2.dev20260603
libtpu: 0.0.44.dev20260713+nightly
codegen_flags: <defaults>
</compile_context>

<pallas_src>
import jax
import jax.numpy as jnp
from jax.experimental import pallas as pl

_NB, _NA, _ATTR = 16, 3, 85
_NH = _NW = 76
_NP = _NH * _NW
_NC = _NA * _ATTR
_STRIDE = 8.0
_AW = (116.0, 156.0, 373.0)
_AH = (90.0, 198.0, 326.0)

_TP = _NP
_NTILES = _NP // _TP


def _body(x_ref, o_ref):
    j = pl.program_id(1)
    v = x_ref[0]
    t = v.T
    c = jax.lax.broadcasted_iota(jnp.int32, (1, _NC), 1)
    r = c % _ATTR
    a = c // _ATTR
    isexp = (r == 2) | (r == 3)
    e = jnp.exp(jnp.where(isexp, t, -t))
    base = jnp.where(isexp, e, 1.0 / (1.0 + e))
    aw = jnp.where(a == 0, _AW[0], jnp.where(a == 1, _AW[1], _AW[2]))
    ah = jnp.where(a == 0, _AH[0], jnp.where(a == 1, _AH[1], _AH[2]))
    mul = jnp.where(r < 2, _STRIDE,
          jnp.where(r == 2, aw,
          jnp.where(r == 3, ah, 1.0))).astype(jnp.float32)
    p = j * _TP + jax.lax.broadcasted_iota(jnp.int32, (_TP, 1), 0)
    w = (p % _NW).astype(jnp.float32)
    h = (p // _NW).astype(jnp.float32)
    m0 = (r == 0).astype(jnp.float32)
    m1 = (r == 1).astype(jnp.float32)
    add = m0 * (_STRIDE * w) + m1 * (_STRIDE * h)
    o_ref[0] = base * mul + add


def kernel(x):
    xr = x.reshape(_NB, _NC, _NP)
    out = pl.pallas_call(
        _body,
        grid=(_NB, _NTILES),
        in_specs=[pl.BlockSpec((1, _NC, _TP), lambda b, j: (b, 0, j))],
        out_specs=pl.BlockSpec((1, _TP, _NC), lambda b, j: (b, j, 0)),
        out_shape=jax.ShapeDtypeStruct((_NB, _NP, _NC), jnp.float32),
    )(xr)
    return out.reshape(_NB, _NA * _NP, _ATTR)

# --- scband reference (transcript-rebuilt; emitter-appended) ---
"""Pipeline reference for scband-yolo-layer-70325794504996 (READ-ONLY COPY).

The authoritative reference and input builder live on the scoring server;
editing this copy changes nothing except your own understanding.
"""

import jax, jax.numpy as jnp
import numpy as np

ANCHORS = np.array([[116.0, 90.0], [156.0, 198.0], [373.0, 326.0]], dtype=np.float32)
IMG_DIM = 608.0
NUM_CLASS = 80


def setup_inputs(seed: int = 0) -> dict:
    key = jax.random.key(seed)
    x = jax.random.normal(key, (16, 255, 76, 76), dtype=jnp.float32)
    return {"x": x}


def reference(x):
    nB = x.shape[0]
    nA = ANCHORS.shape[0]
    bbox_attrib = 5 + NUM_CLASS
    nH, nW = x.shape[2], x.shape[3]
    stride = IMG_DIM / nH
    anchors = jnp.asarray(ANCHORS) / stride
    preds = x.reshape(nB, nA, bbox_attrib, nH, nW).transpose(0, 1, 3, 4, 2)
    preds_xy = preds[..., :2]
    preds_wh = preds[..., 2:4]
    preds_conf = jax.nn.sigmoid(preds[..., 4])
    preds_cls = jax.nn.sigmoid(preds[..., 5:])
    mesh_x = jnp.tile(jnp.arange(nW), (nW, 1))[..., None]
    mesh_y = jnp.tile(jnp.arange(nH), (nH, 1)).T[..., None]
    mesh_xy = jnp.concatenate((mesh_x, mesh_y), axis=2).astype(jnp.float32)
    mesh_anchors = jnp.tile(anchors.reshape(1, nA, 1, 1, 2), (1, 1, nH, nW, 1))
    # pred_boxes is detached (cpu().detach()) in the original torch code
    boxes_xy = jax.lax.stop_gradient(jax.nn.sigmoid(preds_xy)) + mesh_xy
    boxes_wh = jax.lax.stop_gradient(jnp.exp(preds_wh)) * mesh_anchors
    pred_boxes = jnp.concatenate((boxes_xy, boxes_wh), axis=-1)
    out = jnp.concatenate((pred_boxes * stride, preds_conf[..., None], preds_cls), axis=4)
    out = out.transpose(0, 2, 3, 1, 4).reshape(nB, nA * nH * nW, bbox_attrib)
    return out

if __name__ == "__main__":
    import jax
    _d = setup_inputs()
    print(jax.jit(kernel)(*tuple(_d.values())))

</pallas_src>

<mosaic_0001>
module attributes {stable_mosaic.version = 14 : i64} {
  func.func @_body(%arg0: i32, %arg1: i32, %arg2: memref<1x255x5776xf32, #tpu.memory_space<vmem>>, %arg3: memref<1x5776x255xf32, #tpu.memory_space<vmem>>) attributes {dimension_semantics = [#tpu.dimension_semantics<arbitrary>, #tpu.dimension_semantics<arbitrary>], iteration_bounds = array<i64: 16, 1>, scalar_prefetch = 0 : i64, scratch_operands = 0 : i64, tpu.core_type = #tpu.core_type<tc>, window_params = [{transform_indices = @transform_0, window_bounds = array<i64: 1, 255, 5776>}, {transform_indices = @transform_1, window_bounds = array<i64: 1, 5776, 255>}]} {
    %get3A = arith.constant 0 : index
    %get3A_0 = arith.constant 0 : index
    %get3A_1 = arith.constant 0 : index
    %get3A_2 = vector.load %arg2[%get3A, %get3A_0, %get3A_1] : memref<1x255x5776xf32, #tpu.memory_space<vmem>>, vector<1x255x5776xf32>
    %get3A_3 = vector.shape_cast %get3A_2 : vector<1x255x5776xf32> to vector<255x5776xf32>
    %transpose3A = tpu.transpose %get3A_3, [1, 0] : vector<255x5776xf32> -> vector<5776x255xf32>
    %iota3A = tpu.iota {dimensions = array<i32: 1>} : vector<1x255xi32>
    %jit3A = arith.constant 85 : i32
    %eq3A = arith.constant 0 : i32
    %eq3A_4 = arith.cmpi eq, %jit3A, %eq3A : i32
    %jit3A_5 = arith.constant 1 : i32
    %select_n3A = arith.select %eq3A_4, %jit3A_5, %jit3A : i32
    %rem3A = vector.broadcast %select_n3A : i32 to vector<1x255xi32>
    %rem3A_6 = arith.remsi %iota3A, %rem3A : vector<1x255xi32>
    %ne3A = arith.constant 0 : i32
    %ne3A_7 = vector.broadcast %ne3A : i32 to vector<1x255xi32>
    %ne3A_8 = arith.cmpi ne, %rem3A_6, %ne3A_7 : vector<1x255xi32>
    %lt3A = arith.constant 0 : i32
    %lt3A_9 = vector.broadcast %lt3A : i32 to vector<1x255xi32>
    %lt3A_10 = arith.cmpi slt, %rem3A_6, %lt3A_9 : vector<1x255xi32>
    %lt3A_11 = arith.constant 0 : i32
    %lt3A_12 = arith.cmpi slt, %select_n3A, %lt3A_11 : i32
    %ne3A_13 = vector.broadcast %lt3A_12 : i1 to vector<1x255xi1>
    %ne3A_14 = vector.broadcast %ne3A_13 : vector<1x255xi1> to vector<1x255xi1>
    %ne3A_15 = arith.xori %lt3A_10, %ne3A_14 : vector<1x255xi1>
    %and3A = arith.andi %ne3A_15, %ne3A_8 : vector<1x255xi1>
    %add3A = vector.broadcast %select_n3A : i32 to vector<1x255xi32>
    %add3A_16 = arith.addi %rem3A_6, %add3A : vector<1x255xi32>
    %select_n3A_17 = arith.select %and3A, %add3A_16, %rem3A_6 : vector<1x255xi1>, vector<1x255xi32>
    %jit3A_18 = arith.constant 85 : i32
    %div3A = vector.broadcast %jit3A_18 : i32 to vector<1x255xi32>
    %div3A_19 = arith.divsi %iota3A, %div3A : vector<1x255xi32>
    %sign3A = arith.constant 0 : i32
    %sign3A_20 = vector.broadcast %sign3A : i32 to vector<1x255xi32>
    %sign3A_21 = arith.cmpi sgt, %iota3A, %sign3A_20 : vector<1x255xi32>
    %sign3A_22 = arith.extui %sign3A_21 : vector<1x255xi1> to vector<1x255xi32>
    %sign3A_23 = arith.constant 0 : i32
    %sign3A_24 = vector.broadcast %sign3A_23 : i32 to vector<1x255xi32>
    %sign3A_25 = arith.cmpi slt, %iota3A, %sign3A_24 : vector<1x255xi32>
    %sign3A_26 = arith.extui %sign3A_25 : vector<1x255xi1> to vector<1x255xi32>
    %sign3A_27 = arith.subi %sign3A_22, %sign3A_26 : vector<1x255xi32>
    %sign3A_28 = arith.constant 0 : i32
    %sign3A_29 = arith.cmpi sgt, %jit3A_18, %sign3A_28 : i32
    %sign3A_30 = arith.extui %sign3A_29 : i1 to i32
    %sign3A_31 = arith.constant 0 : i32
    %sign3A_32 = arith.cmpi slt, %jit3A_18, %sign3A_31 : i32
    %sign3A_33 = arith.extui %sign3A_32 : i1 to i32
    %sign3A_34 = arith.subi %sign3A_30, %sign3A_33 : i32
    %ne3A_35 = vector.broadcast %sign3A_34 : i32 to vector<1x255xi32>
    %ne3A_36 = arith.cmpi ne, %sign3A_27, %ne3A_35 : vector<1x255xi32>
    %rem3A_37 = vector.broadcast %jit3A_18 : i32 to vector<1x255xi32>
    %rem3A_38 = arith.remsi %iota3A, %rem3A_37 : vector<1x255xi32>
    %ne3A_39 = arith.constant 0 : i32
    %ne3A_40 = vector.broadcast %ne3A_39 : i32 to vector<1x255xi32>
    %ne3A_41 = arith.cmpi ne, %rem3A_38, %ne3A_40 : vector<1x255xi32>
    %and3A_42 = arith.andi %ne3A_36, %ne3A_41 : vector<1x255xi1>
    %sub3A = arith.constant 1 : i32
    %sub3A_43 = vector.broadcast %sub3A : i32 to vector<1x255xi32>
    %sub3A_44 = arith.subi %div3A_19, %sub3A_43 : vector<1x255xi32>
    %select_n3A_45 = arith.select %and3A_42, %sub3A_44, %div3A_19 : vector<1x255xi1>, vector<1x255xi32>
    %eq3A_46 = arith.constant 2 : i32
    %eq3A_47 = vector.broadcast %eq3A_46 : i32 to vector<1x255xi32>
    %eq3A_48 = arith.cmpi eq, %select_n3A_17, %eq3A_47 : vector<1x255xi32>
    %eq3A_49 = arith.constant 3 : i32
    %eq3A_50 = vector.broadcast %eq3A_49 : i32 to vector<1x255xi32>
    %eq3A_51 = arith.cmpi eq, %select_n3A_17, %eq3A_50 : vector<1x255xi32>
    %or3A = arith.ori %eq3A_48, %eq3A_51 : vector<1x255xi1>
    %neg3A = arith.constant 0.000000e+00 : f32
    %neg3A_52 = vector.broadcast %neg3A : f32 to vector<5776x255xf32>
    %neg3A_53 = arith.subf %neg3A_52, %transpose3A : vector<5776x255xf32>
    %broadcast_in_dim3A = vector.shape_cast %or3A : vector<1x255xi1> to vector<1x255xi1>
    %broadcast_in_dim3A_54 = vector.broadcast %broadcast_in_dim3A : vector<1x255xi1> to vector<5776x255xi1>
    %select_n3A_55 = arith.select %broadcast_in_dim3A_54, %transpose3A, %neg3A_53 : vector<5776x255xi1>, vector<5776x255xf32>
    %exp3A = math.exp %select_n3A_55 : vector<5776x255xf32>
    %add3A_56 = arith.constant 1.000000e+00 : f32
    %add3A_57 = vector.broadcast %add3A_56 : f32 to vector<5776x255xf32>
    %add3A_58 = arith.addf %add3A_57, %exp3A : vector<5776x255xf32>
    %div3A_59 = arith.constant 1.000000e+00 : f32
    %div3A_60 = vector.broadcast %div3A_59 : f32 to vector<5776x255xf32>
    %div3A_61 = arith.divf %div3A_60, %add3A_58 : vector<5776x255xf32>
    %broadcast_in_dim3A_62 = vector.shape_cast %or3A : vector<1x255xi1> to vector<1x255xi1>
    %broadcast_in_dim3A_63 = vector.broadcast %broadcast_in_dim3A_62 : vector<1x255xi1> to vector<5776x255xi1>
    %select_n3A_64 = arith.select %broadcast_in_dim3A_63, %exp3A, %div3A_61 : vector<5776x255xi1>, vector<5776x255xf32>
    %eq3A_65 = arith.constant 0 : i32
    %eq3A_66 = vector.broadcast %eq3A_65 : i32 to vector<1x255xi32>
    %eq3A_67 = arith.cmpi eq, %select_n3A_45, %eq3A_66 : vector<1x255xi32>
    %eq3A_68 = arith.constant 1 : i32
    %eq3A_69 = vector.broadcast %eq3A_68 : i32 to vector<1x255xi32>
    %eq3A_70 = arith.cmpi eq, %select_n3A_45, %eq3A_69 : vector<1x255xi32>
    %jit3A_71 = arith.constant 1.560000e+02 : f32
    %jit3A_72 = arith.constant 3.730000e+02 : f32
    %broadcast_in_dim3A_73 = vector.broadcast %jit3A_71 : f32 to vector<1x255xf32>
    %broadcast_in_dim3A_74 = vector.broadcast %jit3A_72 : f32 to vector<1x255xf32>
    %select_n3A_75 = arith.select %eq3A_70, %broadcast_in_dim3A_73, %broadcast_in_dim3A_74 : vector<1x255xi1>, vector<1x255xf32>
    %jit3A_76 = arith.constant 1.160000e+02 : f32
    %broadcast_in_dim3A_77 = vector.broadcast %jit3A_76 : f32 to vector<1x255xf32>
    %select_n3A_78 = arith.select %eq3A_67, %broadcast_in_dim3A_77, %select_n3A_75 : vector<1x255xi1>, vector<1x255xf32>
    %eq3A_79 = arith.constant 0 : i32
    %eq3A_80 = vector.broadcast %eq3A_79 : i32 to vector<1x255xi32>
    %eq3A_81 = arith.cmpi eq, %select_n3A_45, %eq3A_80 : vector<1x255xi32>
    %eq3A_82 = arith.constant 1 : i32
    %eq3A_83 = vector.broadcast %eq3A_82 : i32 to vector<1x255xi32>
    %eq3A_84 = arith.cmpi eq, %select_n3A_45, %eq3A_83 : vector<1x255xi32>
    %jit3A_85 = arith.constant 1.980000e+02 : f32
    %jit3A_86 = arith.constant 3.260000e+02 : f32
    %broadcast_in_dim3A_87 = vector.broadcast %jit3A_85 : f32 to vector<1x255xf32>
    %broadcast_in_dim3A_88 = vector.broadcast %jit3A_86 : f32 to vector<1x255xf32>
    %select_n3A_89 = arith.select %eq3A_84, %broadcast_in_dim3A_87, %broadcast_in_dim3A_88 : vector<1x255xi1>, vector<1x255xf32>
    %jit3A_90 = arith.constant 9.000000e+01 : f32
    %broadcast_in_dim3A_91 = vector.broadcast %jit3A_90 : f32 to vector<1x255xf32>
    %select_n3A_92 = arith.select %eq3A_81, %broadcast_in_dim3A_91, %select_n3A_89 : vector<1x255xi1>, vector<1x255xf32>
    %lt3A_93 = arith.constant 2 : i32
    %lt3A_94 = vector.broadcast %lt3A_93 : i32 to vector<1x255xi32>
    %lt3A_95 = arith.cmpi slt, %select_n3A_17, %lt3A_94 : vector<1x255xi32>
    %eq3A_96 = arith.constant 2 : i32
    %eq3A_97 = vector.broadcast %eq3A_96 : i32 to vector<1x255xi32>
    %eq3A_98 = arith.cmpi eq, %select_n3A_17, %eq3A_97 : vector<1x255xi32>
    %eq3A_99 = arith.constant 3 : i32
    %eq3A_100 = vector.broadcast %eq3A_99 : i32 to vector<1x255xi32>
    %eq3A_101 = arith.cmpi eq, %select_n3A_17, %eq3A_100 : vector<1x255xi32>
    %jit3A_102 = arith.constant 1.000000e+00 : f32
    %broadcast_in_dim3A_103 = vector.broadcast %jit3A_102 : f32 to vector<1x255xf32>
    %select_n3A_104 = arith.select %eq3A_101, %select_n3A_92, %broadcast_in_dim3A_103 : vector<1x255xi1>, vector<1x255xf32>
    %select_n3A_105 = arith.select %eq3A_98, %select_n3A_78, %select_n3A_104 : vector<1x255xi1>, vector<1x255xf32>
    %jit3A_106 = arith.constant 8.000000e+00 : f32
    %broadcast_in_dim3A_107 = vector.broadcast %jit3A_106 : f32 to vector<1x255xf32>
    %select_n3A_108 = arith.select %lt3A_95, %broadcast_in_dim3A_107, %select_n3A_105 : vector<1x255xi1>, vector<1x255xf32>
    %mul3A = arith.constant 5776 : i32
    %mul3A_109 = arith.muli %arg1, %mul3A : i32
    %iota3A_110 = tpu.iota {dimensions = array<i32: 0>} : vector<5776x1xi32>
    %add3A_111 = vector.broadcast %mul3A_109 : i32 to vector<5776x1xi32>
    %add3A_112 = arith.addi %add3A_111, %iota3A_110 : vector<5776x1xi32>
    %jit3A_113 = arith.constant 76 : i32
    %eq3A_114 = arith.constant 0 : i32
    %eq3A_115 = arith.cmpi eq, %jit3A_113, %eq3A_114 : i32
    %jit3A_116 = arith.constant 1 : i32
    %select_n3A_117 = arith.select %eq3A_115, %jit3A_116, %jit3A_113 : i32
    %rem3A_118 = vector.broadcast %select_n3A_117 : i32 to vector<5776x1xi32>
    %rem3A_119 = arith.remsi %add3A_112, %rem3A_118 : vector<5776x1xi32>
    %ne3A_120 = arith.constant 0 : i32
    %ne3A_121 = vector.broadcast %ne3A_120 : i32 to vector<5776x1xi32>
    %ne3A_122 = arith.cmpi ne, %rem3A_119, %ne3A_121 : vector<5776x1xi32>
    %lt3A_123 = arith.constant 0 : i32
    %lt3A_124 = vector.broadcast %lt3A_123 : i32 to vector<5776x1xi32>
    %lt3A_125 = arith.cmpi slt, %rem3A_119, %lt3A_124 : vector<5776x1xi32>
    %lt3A_126 = arith.constant 0 : i32
    %lt3A_127 = arith.cmpi slt, %select_n3A_117, %lt3A_126 : i32
    %ne3A_128 = vector.broadcast %lt3A_127 : i1 to vector<5776x1xi1>
    %ne3A_129 = vector.broadcast %ne3A_128 : vector<5776x1xi1> to vector<5776x1xi1>
    %ne3A_130 = arith.xori %lt3A_125, %ne3A_129 : vector<5776x1xi1>
    %and3A_131 = arith.andi %ne3A_130, %ne3A_122 : vector<5776x1xi1>
    %add3A_132 = vector.broadcast %select_n3A_117 : i32 to vector<5776x1xi32>
    %add3A_133 = arith.addi %rem3A_119, %add3A_132 : vector<5776x1xi32>
    %select_n3A_134 = arith.select %and3A_131, %add3A_133, %rem3A_119 : vector<5776x1xi1>, vector<5776x1xi32>
    %convert_element_type3A = arith.sitofp %select_n3A_134 : vector<5776x1xi32> to vector<5776x1xf32>
    %jit3A_135 = arith.constant 76 : i32
    %div3A_136 = vector.broadcast %jit3A_135 : i32 to vector<5776x1xi32>
    %div3A_137 = arith.divsi %add3A_112, %div3A_136 : vector<5776x1xi32>
    %sign3A_138 = arith.constant 0 : i32
    %sign3A_139 = vector.broadcast %sign3A_138 : i32 to vector<5776x1xi32>
    %sign3A_140 = arith.cmpi sgt, %add3A_112, %sign3A_139 : vector<5776x1xi32>
    %sign3A_141 = arith.extui %sign3A_140 : vector<5776x1xi1> to vector<5776x1xi32>
    %sign3A_142 = arith.constant 0 : i32
    %sign3A_143 = vector.broadcast %sign3A_142 : i32 to vector<5776x1xi32>
    %sign3A_144 = arith.cmpi slt, %add3A_112, %sign3A_143 : vector<5776x1xi32>
    %sign3A_145 = arith.extui %sign3A_144 : vector<5776x1xi1> to vector<5776x1xi32>
    %sign3A_146 = arith.subi %sign3A_141, %sign3A_145 : vector<5776x1xi32>
    %sign3A_147 = arith.constant 0 : i32
    %sign3A_148 = arith.cmpi sgt, %jit3A_135, %sign3A_147 : i32
    %sign3A_149 = arith.extui %sign3A_148 : i1 to i32
    %sign3A_150 = arith.constant 0 : i32
    %sign3A_151 = arith.cmpi slt, %jit3A_135, %sign3A_150 : i32
    %sign3A_152 = arith.extui %sign3A_151 : i1 to i32
    %sign3A_153 = arith.subi %sign3A_149, %sign3A_152 : i32
    %ne3A_154 = vector.broadcast %sign3A_153 : i32 to vector<5776x1xi32>
    %ne3A_155 = arith.cmpi ne, %sign3A_146, %ne3A_154 : vector<5776x1xi32>
    %rem3A_156 = vector.broadcast %jit3A_135 : i32 to vector<5776x1xi32>
    %rem3A_157 = arith.remsi %add3A_112, %rem3A_156 : vector<5776x1xi32>
    %ne3A_158 = arith.constant 0 : i32
    %ne3A_159 = vector.broadcast %ne3A_158 : i32 to vector<5776x1xi32>
    %ne3A_160 = arith.cmpi ne, %rem3A_157, %ne3A_159 : vector<5776x1xi32>
    %and3A_161 = arith.andi %ne3A_155, %ne3A_160 : vector<5776x1xi1>
    %sub3A_162 = arith.constant 1 : i32
    %sub3A_163 = vector.broadcast %sub3A_162 : i32 to vector<5776x1xi32>
    %sub3A_164 = arith.subi %div3A_137, %sub3A_163 : vector<5776x1xi32>
    %select_n3A_165 = arith.select %and3A_161, %sub3A_164, %div3A_137 : vector<5776x1xi1>, vector<5776x1xi32>
    %convert_element_type3A_166 = arith.sitofp %select_n3A_165 : vector<5776x1xi32> to vector<5776x1xf32>
    %eq3A_167 = arith.constant 0 : i32
    %eq3A_168 = vector.broadcast %eq3A_167 : i32 to vector<1x255xi32>
    %eq3A_169 = arith.cmpi eq, %select_n3A_17, %eq3A_168 : vector<1x255xi32>
    %convert_element_type3A_170 = arith.extui %eq3A_169 : vector<1x255xi1> to vector<1x255xi32>
    %convert_element_type3A_171 = arith.sitofp %convert_element_type3A_170 : vector<1x255xi32> to vector<1x255xf32>
    %eq3A_172 = arith.constant 1 : i32
    %eq3A_173 = vector.broadcast %eq3A_172 : i32 to vector<1x255xi32>
    %eq3A_174 = arith.cmpi eq, %select_n3A_17, %eq3A_173 : vector<1x255xi32>
    %convert_element_type3A_175 = arith.extui %eq3A_174 : vector<1x255xi1> to vector<1x255xi32>
    %convert_element_type3A_176 = arith.sitofp %convert_element_type3A_175 : vector<1x255xi32> to vector<1x255xf32>
    %mul3A_177 = arith.constant 8.000000e+00 : f32
    %mul3A_178 = vector.broadcast %mul3A_177 : f32 to vector<5776x1xf32>
    %mul3A_179 = arith.mulf %mul3A_178, %convert_element_type3A : vector<5776x1xf32>
    %mul3A_180 = vector.broadcast %convert_element_type3A_171 : vector<1x255xf32> to vector<5776x255xf32>
    %mul3A_181 = vector.broadcast %mul3A_179 : vector<5776x1xf32> to vector<5776x255xf32>
    %mul3A_182 = arith.mulf %mul3A_180, %mul3A_181 : vector<5776x255xf32>
    %mul3A_183 = arith.constant 8.000000e+00 : f32
    %mul3A_184 = vector.broadcast %mul3A_183 : f32 to vector<5776x1xf32>
    %mul3A_185 = arith.mulf %mul3A_184, %convert_element_type3A_166 : vector<5776x1xf32>
    %mul3A_186 = vector.broadcast %convert_element_type3A_176 : vector<1x255xf32> to vector<5776x255xf32>
    %mul3A_187 = vector.broadcast %mul3A_185 : vector<5776x1xf32> to vector<5776x255xf32>
    %mul3A_188 = arith.mulf %mul3A_186, %mul3A_187 : vector<5776x255xf32>
    %add3A_189 = arith.addf %mul3A_182, %mul3A_188 : vector<5776x255xf32>
    %mul3A_190 = vector.broadcast %select_n3A_108 : vector<1x255xf32> to vector<5776x255xf32>
    %mul3A_191 = arith.mulf %select_n3A_64, %mul3A_190 : vector<5776x255xf32>
    %add3A_192 = arith.addf %mul3A_191, %add3A_189 : vector<5776x255xf32>
    %swap3A = arith.constant 0 : index
    %swap3A_193 = arith.constant 0 : index
    %swap3A_194 = arith.constant 0 : index
    %swap3A_195 = vector.load %arg3[%swap3A, %swap3A_193, %swap3A_194] : memref<1x5776x255xf32, #tpu.memory_space<vmem>>, vector<1x5776x255xf32>
    %swap3A_196 = vector.shape_cast %swap3A_195 : vector<1x5776x255xf32> to vector<5776x255xf32>
    %swap3A_197 = vector.shape_cast %add3A_192 : vector<5776x255xf32> to vector<1x5776x255xf32>
    tpu.vector_store %arg3[%swap3A, %swap3A_193, %swap3A_194], %swap3A_197 {strides = array<i32>} : memref<1x5776x255xf32, #tpu.memory_space<vmem>>, vector<1x5776x255xf32>,
    return
  }
  func.func @transform_0(%arg0: i32, %arg1: i32) -> (i32, i32, i32) {
    %c0_i32 = arith.constant 0 : i32
    %c0_i32_0 = arith.constant 0 : i32
    return %arg0, %c0_i32, %arg1 : i32, i32, i32
  }
  func.func @transform_1(%arg0: i32, %arg1: i32) -> (i32, i32, i32) {
    %c0_i32 = arith.constant 0 : i32
    %c0_i32_0 = arith.constant 0 : i32
    return %arg0, %arg1, %c0_i32 : i32, i32, i32
  }
}

</mosaic_0001>

<sc_bundles>
// kernel: sparse-core-data-format-call.cloned.1.call-start
scs
called_computation_lowered:
.L_overlay_start_0:
0x0: {  	s2 =	sld [smem:$0x3FD9]  }
0x1: {  	s3 =	sld [smem:$0x3FFE];
	_ =	sdelay $0x1  }
0x2: {  	s1 =	srdreg.scid  }
0x3: {  	s0 =	sand.u32 $0x1, s1  }
0x4: {  	s18 =	sshll.u32 s0, $0xA;
	s2 =	sadd.s32 s3, s2  }
0x5: {  	s2 =	sadd.s32 s2, s18  }
0x6: {  	[smem:$0x3FC7] =	sst s2  }
0x7: {  	_ = 	snop  }
0x8: {  	s2 =	sld [smem:$0x3FD0];
	(tm) =	ssettm $0x1  }
0x9: {  	s19 =	sld [smem:$0x3FFB];
	_ =	sdelay $0x3  }
0xa: {  	_ =	strace s19  }
0xb: {  	s3 =	sld [smem:$0x3FFC];
	_ =	sdelay $0x3  }
0xc: {  	_ =	strace s3  }
0xd: {  	s3 =	sld [smem:$0x3FFD];
	_ =	sdelay $0x3  }
0xe: {  	_ =	strace s3  }
0xf: {  	_ =	strace $0x8FFFFFFF  }
0x10: {  	s20 =	sld [smem:$0x3FDB];
	_ =	sdelay $0x1  }
0x11: {  	s4 =	simm.s32 $_scs_section_size  }
0x12: {  	s5 =	simm.s32 $_size__tile_overlayer_lowered;
	s6 =	simm.s32 $_tile_overlayer_lowered  }
0x13: {  	s23 =	simm.s32 $0x1BFF;
	s22 =	sshll.u32 s6, $0x1;
	s3 =	sadd.s32 s4, s20  }
0x14: {  	s7 =	simm.s32 $0x0;
	s21 =	sshll.u32 s5, $0x1;
	s5 =	sadd.s32 s22, s3  }
0x15: {  	[timem:s7], [sflag:s23] =	dma.local [hbm:s5], s21  }
0x16: {  	_ =	swait.ge [sflag:s23], s21  }
0x17: {  	s4 =	ssub.s32 $0x0, s21;
	[sflag:s23] =	ssyncset.done $0x0  }
0x18: {  	[sflag:s23] =	ssyncadd.s32 s4;
	_ =	sdelay $0x1  }
0x19: {  	s24 =	simm.s32 $0x1B8B  }
0x1a: {  	_ =	swait.ge [sflag:s24], $0x1  }
0x1b: {  	[sflag:s24] =	ssyncset.done $0x0  }
0x1c: {  	s26 =	simm.s32 $0x1B8E;
	s25 =	sld [smem:$0x3FFE];
	[sflag:s24] =	ssyncadd.s32 $0xFFFFFFFF  }
0x1d: {  	s27 =	simm.s32 $execute0_lowered;
	[smem:$0x3FD2] =	sst s26  }
0x1e: {  	s5 =	sshll.u32 s27, $0x1;
	_ =	strace $0x80000046;
	[dreg:$0x1] =	wrdreg $0xFFFFFFFF  }
0x1f: {  	s28 =	simm.s32 $_size_execute0_lowered;
	s3 =	sadd.s32 s3, s5;
	[dreg:$0x0] =	wrdreg $0x0  }
0x20: {  	s5 =	sshll.u32 s28, $0x1;
	[dreg:$0x2] =	wrdreg s3  }
0x21: {  	[dreg:$0x3] =	wrdreg s5  }
0x22: {  	[dreg:$0x4] =	wrdreg $0xC0  }
0x23: {  	_ =	task [dreg:s7], $0x5FFFF  }
0x24: {  	[dreg:$0x1] =	wrdreg $0xFFFFFFFF  }
0x25: {  	[dreg:$0x0] =	wrdreg $0x60  }
0x26: {  	[dreg:$0x2] =	wrdreg s25  }
0x27: {  	[dreg:$0x3] =	wrdreg s2  }
0x28: {  	[dreg:$0x4] =	wrdreg $0x9  }
0x29: {  	_ =	task.clear_ibuf [dreg:s7], $0x5FFFF;
	_ =	strace $0x90000046  }
0x2a: {  	s29 =	simm.s32 $0x9;
	_ =	strace $0x80000048  }
0x2b: {  	_ =	swait.ge [sflag:s29], $0x1  }
0x2c: {  	[sflag:s29] =	ssyncadd.s32 $0xFFFFFFFF  }
0x2d: {  	_ =	strace $0x90000048  }
0x2e: {  	_ =	sfence  }
0x2f: {  	s30 =	sld [smem:$0x0];
	_ =	sdelay $0x2  }
0x30: {  	s31 =	sshll.u32 s1, $0xD;
	s1 =	sshrl.u32 s1, $0x2  }
0x31: {  	s3 =	sand.u32 $0x4000, s31;
	s1 =	sadd.s32 s1, s30  }
0x32: {  	s0 =	sor.u32 s3, s0;
	s1 =	sshll.u32 s1, $0x11  }
0x33: {  	s0 =	sor.u32 s1, s0  }
0x34: {  	s0 =	sadd.s32 $0x8F2B, s0  }
0x35: {  	[sflag:s0] =	ssyncadd.remote.s32 $0x1  }
0x36: {  	_ =	sfence.sel $0xFFFF  }
0x37: {  	[dreg:$0x0] =	wrdreg $0xFFFFFFFF;
	(pc) =	sbr.abs _section_cstart, $3  }
0x38: {  	[dreg:$0x1] =	wrdreg $0xFFFFFFFF  }
0x39: {  	_ =	task.clear_ibuf [dreg:s7], $0x2FFFF;
	_ =	strace $0x9FFFFFFF  }
0x3a: {  	(tm) =	ssettm $0x7FFFFFFF  }
0x3b: {  	_ =	shalt  }
tec
execute0_lowered:
.L_overlay_start_1:
0x0: {  	(tag) =	ssettag $0x1  }
0x1: {  	s0 =	rddreg [dreg:$0x0];
	_ =	strace $0x80000047  }
0x2: {  	s17 =	stileid.u32;
	s31 =	srdreg.scid;
	s4 =	simm.s32 $0x1  }
.Ltmp0:
0x3: {  	s2 =	simm.s32 $0x2;
	s12 =	simm.s32 $0x0;
	(pc) =	sbr.rel .LBB1_1-.Ltmp0, $4  }
0x4: {  	s13 =	simm.s32 $0x0;
	s8 =	simm.s32 $0x0;
	s10 =	simm.s32 $0x0  }
0x5: {  	s11 =	stileid.u32;
	s3 =	sadd.s32 $0x400, s0;
	s0 =	sshll.u32 s31, $0x7  }
0x6: {  	s7 =	simm.s32 $0x0;
	[sflag:s4] =	ssyncpa.u1 $0x0;
	s5 =	sand.u32 $0x80, s0  }
0x7: {  	s21 =	simm.s32 $0x0;
	[sflag:s2] =	ssyncpa.u1 $0x0;
	s9 =	smov.u32 s5  }
.LBB1_11:
0x8: {  	s0 =	sshrl.u32 s10, $0x3;
	s1 =	sshll.u32 s8, $0x3  }
0x9: {  	s2 =	sshll.u32 s10, $0x7;
	s6 =	sand.u32 $0x7F, s8;
	s0 =	smul.u32 $0x22000, s0  }
0xa: {  	p0 =	sgt.s32 s8, $0x4380;
	s1 =	sand.u32 $0xFFFFFC00, s1;
	s2 =	sand.u32 $0x380, s2  }
0xb: {  	s27 =	sor.u32 s6, s2;
	s2 =	smov.u32 s8;
	s0 =	sadd.s32 s0, s1  }
0xc: {  	s2 =	simm.s32 @!p0 $0x4380;
	s1 =	sor.u32 s0, s27  }
0xd: {  	s2 =	sadd.s32 s15, s2;
	s28 =	smulhi.u32 $0xF0F0F0F1, s1  }
0xe: {  	s29 =	rddreg [dreg:$0x1];
	s0 =	smulhi.u32 $0xF0F0F0F1, s0;
	s15 =	sadd.s32 $0xFFFFBC80, s2  }
0xf: {  	s2 =	ssub.s32 $0x4400, s2;
	p0 =	sgt.s32 s15, $0x7F;
	s6 =	sshrl.u32 s28, $0xE  }
0x10: {  	s0 =	sshrl.u32 s0, $0xE;
	s2 =	simm.s32 @p0 $0x0;
	s6 =	smul.u32 $0x4400, s6  }
0x11: {  	s30 =	sor.u32 $0x8000, s16;
	s0 =	sand.u32 $0xF, s0;
	s2 =	smul.u32 s2, s14  }
0x12: {  	s31 =	simm.s32 $0x44000;
	s0 =	smul.u32 $0x880, s0;
	s1 =	ssub.s32 s1, s6  }
0x13: {  	s2 =	smul.u32 $0x55, s2;
	s6 =	sshrl.u32 s1, $0x3;
	s1 =	sand.u32 $0x7, s1  }
0x14: {  	s17 =	stileid.u32;
	s6 =	sadd.s32 s29, s6;
	s1 =	sshll.u32 s1, $0x12  }
0x15: {  	s2 =	sand.u32 $0x3FFFFFFF, s2;
	s0 =	sadd.s32 s0, s6;
	s1 =	sor.u32 $0x80, s1  }
0x16: {  	[hbm4b:s0+s1] =	stream.strided.scatter [tilespmem:s30], [sflag:$0x2], s2, s31, s1, $0x20;
	[tilespmem:$0x10100] =	vst v63  }
.LBB1_12:
0x17: {  	p0 =	slt.u32 s7, $0x2  }
0x18: {  	s1 =	smov.u32 s13;
	s2 =	smov.u32 s12;
	p1 =	sgt.s32 @!p0 s13, $0xF  }
0x19: {  	s0 =	sshra.s32 @!p0 s13, $0x1F;
	p2 =	sgt.s32 @!p0 s12, $0x4380;
	s6 =	sshra.s32 @!p0 s12, $0x1F  }
0x1a: {  	p1 =	por !p1, p0;
	s0 =	sand.u32 @!p0 s0, s13;
	p2 =	por !p2, p0  }
0x1b: {  	s6 =	sand.u32 @!p0 s6, s12;
	s1 =	simm.s32 @p1 $0xF;
	s2 =	simm.s32 @p2 $0x4380  }
0x1c: {  	s0 =	ssub.s32 @!p0 s1, s0;
	s1 =	ssub.s32 @!p0 s2, s6  }
0x1d: {  	s2 =	sadd.s32 @!p0 $0xFFFFFFF1, s0;
	s0 =	ssub.s32 @!p0 $0x10, s0;
	s6 =	sadd.s32 @!p0 $0xFFFFBC80, s1  }
0x1e: {  	p1 =	sgt.s32 @!p0 s2, $0x0;
	s0 =	smul.u32 @!p0 $0x55, s0;
	p2 =	sgt.s32 @!p0 s6, $0x7F  }
0x1f: {  	s1 =	ssub.s32 @!p0 $0x4400, s1;
	p1 =	por !p1, p0;
	p2 =	por !p2, p0  }
0x20: {  	s0 =	simm.s32 @!p1 $0x0;
	s1 =	simm.s32 @!p2 $0x0  }
0x21: {  	s0 =	smul.u32 @!p0 s1, s0;
	s1 =	sadd.s32 $0x100, s9  }
0x22: {  	s14 =	smov.u32 s11;
	s6 =	sadd.s32 $0x10, s11;
	p1 =	sgt.s32 s1, $0x43AF  }
0x23: {  	s14 =	smov.u32 @p1 s6  }
0x24: {  	s7 =	sadd.s32 $0x1, s7;
	s1 =	smov.u32 @p1 s5;
	p1 =	sgt.s32 s14, $0xF  }
0x25: {  	s14 =	smov.u32 @p1 s17;
	p1 =	sne.s32 s7, $0x46  }
.Ltmp1:
0x26: {  	_ = 	snop;
	(pc) =	sbr.rel @!p1 .LBB1_13-.Ltmp1, $4  }
0x27: {  	s12 =	smov.u32 s8;
	s2 =	simm.s32 @!p0 $0x2;
	s0 =	sand.u32 @!p0 $0x3FFFFFFF, s0  }
0x28: {  	s13 =	smov.u32 s10;
	s8 =	smov.u32 s9;
	_ =	swait.ge @!p0 [sflag:s2], s0  }
0x29: {  	s10 =	smov.u32 s11;
	s0 =	ssub.s32 @!p0 $0x0, s0;
	[sflag:s2] =	ssyncset.done @!p0 $0x0  }
0x2a: {  	s9 =	smov.u32 s1;
	[sflag:s2] =	ssyncadd.s32 @!p0 s0;
	s11 =	smov.u32 s14  }
.LBB1_1:
0x2b: {  	p0 =	sgt.u32 s7, $0x43;
	s2 =	smov.u32 s11  }
0x2c: {  	s15 =	smov.u32 s9;
	p1 =	sgt.s32 @!p0 s11, $0xF;
	s0 =	sand.u32 @!p0 $0x1FFFFFF, s9  }
0x2d: {  	s14 =	sshra.s32 @!p0 s11, $0x1F;
	s16 =	sshra.s32 @!p0 s9, $0x1F;
	p1 =	por !p1, p0  }
0x2e: {  	s6 =	smulhi.u32 @!p0 $0x7906DB, s0;
	s2 =	simm.s32 @p1 $0xF;
	p1 =	sgt.s32 @!p0 s9, $0x4330  }
0x2f: {  	s14 =	sand.u32 @!p0 s14, s11;
	s16 =	sand.u32 @!p0 s16, s9;
	p1 =	por !p1, p0  }
0x30: {  	s2 =	ssub.s32 @!p0 s2, s14;
	s6 =	sshrl.u32 @!p0 s6, $0x5;
	s15 =	simm.s32 @p1 $0x4330  }
0x31: {  	s2 =	sadd.s32 @!p0 $0xFFFFFFF1, s2;
	s6 =	smul.u32 @!p0 $0x43B0, s6;
	s14 =	ssub.s32 @!p0 s15, s16  }
0x32: {  	p1 =	sgt.s32 @!p0 s2, $0x0;
	s2 =	sshll.u32 @!p0 s2, $0x7;
	s15 =	sadd.s32 @!p0 $0xFFFFBCD0, s14  }
0x33: {  	s16 =	smul.u32 @!p0 $0x43B00, s11;
	s14 =	ssub.s32 @!p0 $0x43B0, s14;
	p2 =	sgt.s32 @!p0 s15, $0x7F  }
0x34: {  	s2 =	ssub.s32 @!p0 $0x80, s2;
	p1 =	por !p1, p0;
	p2 =	por !p2, p0  }
0x35: {  	s15 =	sxor.u32 @!p0 $0xFFFFFFFF, s7;
	s2 =	simm.s32 @!p1 $0x0;
	s14 =	simm.s32 @!p2 $0x0  }
0x36: {  	s0 =	ssub.s32 @!p0 s0, s6;
	s6 =	sshll.u32 @!p0 s15, $0xE;
	s2 =	smul.u32 @!p0 s14, s2  }
0x37: {  	s0 =	sshll.u32 @!p0 s0, $0x4;
	s6 =	sand.u32 @!p0 $0x4000, s6;
	s14 =	sadd.s32 @!p0 s3, s16  }
0x38: {  	s0 =	sadd.s32 @!p0 s0, s14;
	s14 =	simm.s32 @!p0 $0x0;
	s2 =	sand.u32 @!p0 $0x3FFFFF80, s2  }
0x39: {  	[tilespmem:s6], [sflag:$0x1] =	stream.linear.gather @!p0 [hbm4b:s0+s14], s2, $0x38;
	[tilespmem:$0x10100] =	vst v63  }
0x3a: {  	p0 =	seq.s32 s7, $0x0  }
0x3b: {  	p1 =	seq.s32 @!p0 s7, $0x45  }
0x3c: {  	p0 =	por p0, p1  }
.Ltmp2:
0x3d: {  	_ = 	snop;
	(pc) =	sbr.rel @p0 .LBB1_12-.Ltmp2, $1  }
0x3e: {  	_ =	sdelay $0x3  }
0x3f: {  	p0 =	sgt.s32 s10, $0xF  }
0x40: {  	s0 =	smov.u32 s10;
	s2 =	sshra.s32 s10, $0x1F;
	s6 =	ssub.s32 $0x0, s8  }
0x41: {  	s14 =	sshra.s32 s8, $0x1F;
	s0 =	simm.s32 @!p0 $0xF;
	s2 =	sand.u32 s2, s10  }
0x42: {  	s16 =	smov.u32 s8;
	p0 =	sgt.s32 s8, $0x4330;
	s0 =	ssub.s32 s0, s2  }
0x43: {  	s15 =	sand.u32 s6, s14;
	s16 =	simm.s32 @!p0 $0x4330;
	s2 =	sadd.s32 $0xFFFFFFF1, s0  }
0x44: {  	s6 =	sadd.s32 s15, s16;
	s14 =	ssub.s32 $0x10, s0;
	p0 =	sgt.s32 s2, $0x0  }
0x45: {  	s30 =	sadd.s32 $0xFFFFBCD0, s6;
	s0 =	ssub.s32 $0x43B0, s6;
	s2 =	sadd.s32 $0x1, s10  }
0x46: {  	s6 =	sadd.s32 $0x80, s8;
	s14 =	simm.s32 @p0 $0x0;
	p0 =	slt.s32 s2, $0x10  }
0x47: {  	s2 =	simm.s32 @!p0 $0x10;
	p0 =	slt.s32 s6, $0x43B0  }
0x48: {  	p1 =	sgt.s32 s30, $0x7F;
	s17 =	ssub.s32 s2, s10;
	s6 =	simm.s32 @!p0 $0x43B0  }
0x49: {  	s0 =	simm.s32 @p1 $0x0;
	s18 =	ssub.s32 s6, s8;
	p0 =	slt.s32 s17, $0x1  }
0x4a: {  	s0 =	smul.u32 s0, s14;
	p1 =	slt.s32 @!p0 s18, $0x1  }
0x4b: {  	p1 =	por p0, p1  }
.Ltmp3:
0x4c: {  	s0 =	sshll.u32 s0, $0x7;
	(pc) =	sbr.rel @p1 .LBB1_11-.Ltmp3, $4  }
0x4d: {  	s31 =	sand.u32 $0x3FFFFF80, s0  }
0x4e: {  	_ =	swait.ge [sflag:s4], s31  }
0x4f: {  	s0 =	sand.u32 $0x1, s7;
	s2 =	ssub.s32 $0x0, s31;
	[sflag:s4] =	ssyncset.done $0x0  }
0x50: {  	s16 =	smul.u32 $0x4080, s0;
	[sflag:s4] =	ssyncadd.s32 s2  }
0x51: {  	_ = 	snop  }
0x52: {  	s19 =	sshll.u32 @!p0 s0, $0xE;
	s22 =	simm.s32 $0x0;
	s20 =	sor.u32 @!p0 $0x8000, s16  }
.LBB1_4:
0x53: {  	s0 =	sshll.u32 s22, $0x10  }
0x54: {  	s0 =	sshra.s32 s0, $0x2  }
0x55: {  	s0 =	sadd.s32 s0, s19  }
0x56: {  	v0 =	vmov s0;
	_ =	sdelay $0x2  }
0x57: {  	s30 =	sand.u32 $0x7, s22  }
0x58: {  	s31 =	sand.u32 $0x3F80, s21;
	p1 =	sne.s32 s18, $0x1;
	s0 =	smul.u32 $0x204, s30  }
.Ltmp4:
0x59: {  	v11 =	vld.idx.msk [tilespmem:v0+s31+$0x0 ss:$0x1], $0xffff;
	(pc) =	sbr.rel @!p1 .LBB1_5-.Ltmp4, $4  }
0x5a: {  	s2 =	simm.s32 $0x1;
	s0 =	sshrl.u32 s0, $0x2;
	v8 =	vld.idx.msk [tilespmem:v0+s31+$0x10 ss:$0x1], $0xffff  }
0x5b: {  	s6 =	simm.s32 $0x80;
	p0 =	por $0x0, $0x0;
	s28 =	sadd.s32 s0, s20;
	v9 =	vld.idx.msk [tilespmem:v0+s31+$0x20 ss:$0x1], $0xffff  }
0x5c: {  	s0 =	sand.u32 $0x7F, s21;
	s26 =	sadd.s32 $0x810, s28;
	s27 =	sadd.s32 $0x1020, s28;
	v10 =	vld.idx.msk [tilespmem:v0+s31+$0x30 ss:$0x1], $0xffff  }
0x5d: {  	s25 =	sadd.s32 $0x1830, s28;
	s24 =	sadd.s32 $0x2040, s28;
	s23 =	sadd.s32 $0x2850, s28;
	v7 =	vld.idx.msk [tilespmem:v0+s31+$0x40 ss:$0x1], $0xffff  }
0x5e: {  	_ =	sdelay $0x3  }
0x5f: {  	s30 =	sand.u32 $0x3F80, s6;
	s1 =	sadd.s32 s0, s28;
	v1 =	vld.idx.msk [tilespmem:v0+s31+$0x50 ss:$0x1], $0xffff;
	p1 =	sne.s32 s18, $0x2  }
.Ltmp5:
0x60: {  	v2 =	vld.idx.msk [tilespmem:v0+s30+$0x0 ss:$0x1], $0xffff;
	[tilespmem:s1+$0x0 ss:$0x81] =	vst.msk $0xffff, v11;
	s1 =	sadd.s32 s0, s26;
	(pc) =	sbr.rel @!p1 .LBB1_7-.Ltmp5, $4  }
0x61: {  	v3 =	vld.idx.msk [tilespmem:v0+s30+$0x10 ss:$0x1], $0xffff;
	[tilespmem:s1+$0x0 ss:$0x81] =	vst.msk $0xffff, v8;
	s1 =	sadd.s32 s0, s27  }
0x62: {  	v4 =	vld.idx.msk [tilespmem:v0+s30+$0x20 ss:$0x1], $0xffff;
	[tilespmem:s1+$0x0 ss:$0x81] =	vst.msk $0xffff, v9;
	s1 =	sadd.s32 s0, s25  }
0x63: {  	s31 =	simm.s32 $0x2;
	s29 =	sand.u32 $0x7F, s2;
	v5 =	vld.idx.msk [tilespmem:v0+s30+$0x30 ss:$0x1], $0xffff;
	[tilespmem:s1+$0x0 ss:$0x81] =	vst.msk $0xffff, v10;
	s1 =	sadd.s32 s0, s24  }
0x64: {  	s2 =	simm.s32 $0x100;
	s6 =	sadd.s32 s0, s23;
	p0 =	por $0x1, $0x1;
	v6 =	vld.idx.msk [tilespmem:v0+s30+$0x40 ss:$0x1], $0xffff;
	[tilespmem:s1+$0x0 ss:$0x81] =	vst.msk $0xffff, v7  }
.LBB1_8:
0x65: {  	s1 =	smov.u32 s31;
	s31 =	sadd.s32 $0x1, s31  }
0x66: {  	s0 =	sadd.s32 s29, s28;
	[tilespmem:s6+$0x0 ss:$0x81] =	vst.msk $0xffff, v1;
	v1 =	vld.idx.msk [tilespmem:v0+s30+$0x50 ss:$0x1], $0xffff;
	s30 =	sand.u32 $0x3F80, s2;
	p1 =	sne.s32 s18, s31  }
.Ltmp6:
0x67: {  	[tilespmem:s0+$0x0 ss:$0x81] =	vst.msk $0xffff, v2;
	v2 =	vld.idx.msk [tilespmem:v0+s30+$0x0 ss:$0x1], $0xffff;
	s0 =	sadd.s32 s29, s26;
	(pc) =	sbr.rel @p1 .LBB1_8-.Ltmp6, $4  }
0x68: {  	[tilespmem:s0+$0x0 ss:$0x81] =	vst.msk $0xffff, v3;
	v3 =	vld.idx.msk [tilespmem:v0+s30+$0x10 ss:$0x1], $0xffff;
	s0 =	sadd.s32 s29, s27  }
0x69: {  	[tilespmem:s0+$0x0 ss:$0x81] =	vst.msk $0xffff, v4;
	v4 =	vld.idx.msk [tilespmem:v0+s30+$0x20 ss:$0x1], $0xffff;
	s0 =	sadd.s32 s29, s25  }
0x6a: {  	[tilespmem:s0+$0x0 ss:$0x81] =	vst.msk $0xffff, v5;
	v5 =	vld.idx.msk [tilespmem:v0+s30+$0x30 ss:$0x1], $0xffff;
	s0 =	sadd.s32 s29, s24  }
0x6b: {  	s2 =	sadd.s32 $0x80, s2;
	s6 =	sadd.s32 s29, s23;
	s29 =	sand.u32 $0x7F, s1;
	[tilespmem:s0+$0x0 ss:$0x81] =	vst.msk $0xffff, v6;
	v6 =	vld.idx.msk [tilespmem:v0+s30+$0x40 ss:$0x1], $0xffff  }
0x6c: {  	_ =	sdelay $0x3  }
0x6d: {  	s0 =	smov.u32 s29;
	s31 =	smov.u32 s30;
	v11 =	vmovc v2;
	v8 =	vmovc v3;
	v9 =	vmov v4;
	v10 =	vmov v5;
	v7 =	vmov v6  }
.LBB1_10:
0x6e: {  	_ =	sdelay $0x2  }
0x6f: {  	s1 =	sadd.s32 s0, s28;
	[tilespmem:s6+$0x0 ss:$0x81] =	vst.msk @p0 $0xffff, v1;
	s22 =	sadd.s32 $0x1, s22  }
0x70: {  	v0 =	vld.idx.msk [tilespmem:v0+s31+$0x50 ss:$0x1], $0xffff;
	s26 =	sadd.s32 s0, s26;
	[tilespmem:s1+$0x0 ss:$0x81] =	vst.msk $0xffff, v11;
	p0 =	sne.s32 s22, s17  }
.Ltmp7:
0x71: {  	s28 =	sadd.s32 s0, s27;
	[tilespmem:s26+$0x0 ss:$0x81] =	vst.msk $0xffff, v8;
	(pc) =	sbr.rel @p0 .LBB1_4-.Ltmp7, $4  }
.Ltmp8:
0x72: {  	s29 =	sadd.s32 s0, s25;
	[tilespmem:s28+$0x0 ss:$0x81] =	vst.msk $0xffff, v9;
	(pc) =	sbr.rel @!p0 .LBB1_11-.Ltmp8, $4  }
0x73: {  	s30 =	sadd.s32 s0, s24;
	[tilespmem:s29+$0x0 ss:$0x81] =	vst.msk $0xffff, v10  }
0x74: {  	s31 =	sadd.s32 s0, s23;
	[tilespmem:s30+$0x0 ss:$0x81] =	vst.msk $0xffff, v7  }
0x75: {  	[tilespmem:s31+$0x0 ss:$0x81] =	vst.msk $0xffff, v0  }
0x76: {  	_ = 	snop  }
.LBB1_5:
.Ltmp9:
0x77: {  	(pc) =	sbr.rel .LBB1_10-.Ltmp9, $2  }
0x78: {  	_ =	sdelay $0x2  }
0x79: {  	_ = 	snop  }
.LBB1_7:
.Ltmp10:
0x7a: {  	_ = 	snop;
	(pc) =	sbr.rel .LBB1_10-.Ltmp10, $2  }
0x7b: {  	_ =	sdelay $0x2  }
0x7c: {  	s0 =	smov.u32 s29;
	s31 =	smov.u32 s30;
	v11 =	vmovc v2;
	v8 =	vmovc v3;
	v9 =	vmov v4;
	v10 =	vmov v5;
	v7 =	vmov v6  }
.LBB1_13:
0x7d: {  	_ =	sfence.sel $0x180000  }
0x7e: {  	s0 =	simm.s32 $0x1;
	[bflag:$0x0] =	sbarrier.arrive $0xFFFF  }
0x7f: {  	s31 =	simm.s32 $0x2;
	[sflag:s0] =	ssyncpa.u1 $0x1  }
0x80: {  	[sflag:s31] =	ssyncpa.u1 $0x1  }
0x81: {  	_ =	strace $0x90000047  }
0x82: {  	[bflag:$0x2] =	sbarrier.arrive $0xFFFF  }
0x83: {  	p0 =	sne.s32 s17, $0x0;
	s0 =	rddreg [dreg:$0x2]  }
0x84: {  	s0 =	sadd.s32 @!p0 $0x100000, s0  }
0x85: {  	[sflag:s0] =	ssyncadd.tile.s32 @!p0 $0x1;
	_ =	shalt  }
.Lfunc_end1:
_tile_overlayer_lowered:
.L_overlay_start_2:
0x86: {  	(tag) =	ssettag $0x2  }
0x87: {  	s0 =	rddreg [dreg:$0x0];
	s2 =	stileid.u32  }
0x88: {  	s1 =	rddreg [dreg:$0x1];
	p0 =	sne.s32 s2, $0x0  }
0x89: {  	s3 =	rddreg [dreg:$0x2];
	[bflag:$0x3] =	sbarrier.arrive $0xFFFF;
	s2 =	simm.s32 @!p0 $0x1C01  }
0x8a: {  	[timem:s3], [sflag:s2] =	dma.local @!p0 [hbm:s0], s1  }
0x8b: {  	s0 =	simm.s32 @!p0 $0x1  }
0x8c: {  	_ =	swait.ge @!p0 [sflag:s0], s1  }
0x8d: {  	s1 =	ssub.s32 @!p0 $0x0, s1;
	[sflag:s0] =	ssyncset.done @!p0 $0x0  }
0x8e: {  	[sflag:s0] =	ssyncadd.s32 @!p0 s1  }
0x8f: {  	[bflag:$0x3] =	sbarrier.arrive $0xFFFF  }
0x90: {  	_ =	shalt  }

</sc_bundles>
